<compile_context>
chip_gen: v7x
topology: tpu7x:2x2x1
jax: 0.10.2.dev20260603
libtpu: 0.0.44.dev20260713+nightly
codegen_flags: <defaults>
</compile_context>

<pallas_src>
import jax
import jax.numpy as jnp
from jax.experimental import pallas as pl


def _moe_block(x_ref, u_ref, wg_ref, wexp_ref, bexp_ref, o_ref):
    xb16 = x_ref[0].astype(jnp.bfloat16)
    E = u_ref.shape[1]
    ut = u_ref[0]

    g = jnp.dot(wg_ref[...].astype(jnp.bfloat16), xb16,
                preferred_element_type=jnp.float32)
    el = g[:E]
    nl = g[E:]
    nl_max = jnp.max(nl, axis=0, keepdims=True)
    nl_exp = jnp.exp(nl - nl_max)
    noise = ut * (nl_exp / jnp.sum(nl_exp, axis=0, keepdims=True))
    logits = el + noise

    lmin = jnp.min(logits, axis=0, keepdims=True)
    eidx = jax.lax.broadcasted_iota(jnp.int32, logits.shape, 0)
    drop = jnp.max(jnp.where(logits == lmin, eidx, -1), axis=0, keepdims=True)
    keep = eidx != drop
    lmax = jnp.max(logits, axis=0, keepdims=True)
    ex = jnp.where(keep, jnp.exp(logits - lmax), 0.0)
    gates = ex / jnp.sum(ex, axis=0, keepdims=True)
    s = jnp.sum(gates, axis=0, keepdims=True)

    y = jnp.dot(
        wexp_ref[...].astype(jnp.bfloat16),
        xb16,
        preferred_element_type=jnp.float32,
    )
    o_ref[0] = (y + bexp_ref[...]) * s


def kernel(x, We, be, Wn, bn, Wexp, bexp, noise_uniform):
    B, C, N, P = x.shape
    E = We.shape[0]
    O = Wexp.shape[0]
    NP = N * P
    T = 2048

    x3 = x.reshape(B, C, NP)
    u3 = jnp.transpose(noise_uniform.reshape(B, NP, E), (0, 2, 1))
    bexp2 = bexp.reshape(O, 1)
    Wg = jnp.concatenate([We, Wn], axis=0)

    out = pl.pallas_call(
        _moe_block,
        grid=(B, NP // T),
        in_specs=[
            pl.BlockSpec((1, C, T), lambda b, i: (b, 0, i)),
            pl.BlockSpec((1, E, T), lambda b, i: (b, 0, i)),
            pl.BlockSpec((2 * E, C), lambda b, i: (0, 0)),
            pl.BlockSpec((O, C), lambda b, i: (0, 0)),
            pl.BlockSpec((O, 1), lambda b, i: (0, 0)),
        ],
        out_specs=pl.BlockSpec((1, O, T), lambda b, i: (b, 0, i)),
        out_shape=jax.ShapeDtypeStruct((B, O, NP), x.dtype),
    )(x3, u3, Wg, Wexp, bexp2)
    return out.reshape(B, O, N, P)

# --- scband reference (transcript-rebuilt; emitter-appended) ---
"""Pipeline reference for scband-moe-mlp-31731218383227 (READ-ONLY COPY).

The authoritative reference and input builder live on the scoring server;
editing this copy changes nothing except your own understanding.
"""

import jax, jax.numpy as jnp
import numpy as np


def setup_inputs(seed: int = 0) -> dict:
    key = jax.random.key(seed)
    ks = jax.random.split(key, 6)
    B, C, N, P = 4, 768, 128, 64
    out_channel = 768
    E = 3
    A = B * N * P
    x = jax.random.normal(ks[0], (B, C, N, P), dtype=jnp.float32)
    # gating linears (experts_logit, noise_logit): Linear(n_embed -> experts_num)
    We = jax.random.normal(ks[1], (E, C), dtype=jnp.float32) * 0.02
    be = jnp.zeros((E,), dtype=jnp.float32)
    Wn = jax.random.normal(ks[2], (E, C), dtype=jnp.float32) * 0.02
    bn = jnp.zeros((E,), dtype=jnp.float32)
    # expert: Conv2d(768, 768, 1) applied to [T, C, 1, 1] tokens -> dense [out, in]
    # NOTE: the torch module reuses the SAME expert_module instance for all 3 experts,
    # so there is exactly one set of expert weights.
    Wexp = jax.random.normal(ks[3], (out_channel, C), dtype=jnp.float32) * 0.02
    bexp = jnp.zeros((out_channel,), dtype=jnp.float32)
    # torch.rand_like noise materialized as an explicit input for determinism
    noise_uniform = jax.random.uniform(ks[4], (A, E), dtype=jnp.float32)
    return {"x": x, "We": We, "be": be, "Wn": Wn, "bn": bn,
            "Wexp": Wexp, "bexp": bexp, "noise_uniform": noise_uniform}


def reference(x, We, be, Wn, bn, Wexp, bexp, noise_uniform):
    B, C, N, P = x.shape
    A = B * N * P
    E = We.shape[0]
    topk = 2
    xt = jnp.transpose(x, (0, 2, 3, 1)).reshape(A, C)
    expert_logit = xt @ We.T + be
    noise_logit = xt @ Wn.T + bn
    noise = noise_uniform * jax.nn.softmax(noise_logit, axis=-1)
    logits = expert_logit + noise
    value, index = jax.lax.top_k(logits, topk)
    rows = jnp.arange(A)[:, None]
    masked = jnp.full((A, E), -jnp.inf, dtype=logits.dtype).at[rows, index].set(value)
    gates = jax.nn.softmax(masked, axis=-1)  # zeros outside top-k
    out_ch = Wexp.shape[0]
    output = jnp.zeros((A, out_ch), dtype=xt.dtype)
    for i in range(E):
        # expert i output (all experts share weights in the original module);
        # gates[:, i] is exactly the torch logit_value on active tokens and 0 elsewhere,
        # so the dense weighted sum equals the torch masked scatter-accumulate.
        y = xt @ Wexp.T + bexp
        output = output + gates[:, i:i + 1] * y
    return jnp.transpose(output.reshape(B, N, P, out_ch), (0, 3, 1, 2))

if __name__ == "__main__":
    import jax
    _d = setup_inputs()
    print(jax.jit(kernel)(*tuple(_d.values())))

</pallas_src>

<mosaic_0001>
module attributes {stable_mosaic.version = 14 : i64} {
  func.func @_moe_block(%arg0: i32, %arg1: i32, %arg2: memref<1x768x2048xf32, #tpu.memory_space<vmem>>, %arg3: memref<1x3x2048xf32, #tpu.memory_space<vmem>>, %arg4: memref<6x768xf32, #tpu.memory_space<vmem>>, %arg5: memref<768x768xf32, #tpu.memory_space<vmem>>, %arg6: memref<768x1xf32, #tpu.memory_space<vmem>>, %arg7: memref<1x768x2048xf32, #tpu.memory_space<vmem>>) attributes {dimension_semantics = [#tpu.dimension_semantics<arbitrary>, #tpu.dimension_semantics<arbitrary>], iteration_bounds = array<i64: 4, 4>, scalar_prefetch = 0 : i64, scratch_operands = 0 : i64, tpu.core_type = #tpu.core_type<tc>, window_params = [{transform_indices = @transform_0, window_bounds = array<i64: 1, 768, 2048>}, {transform_indices = @transform_1, window_bounds = array<i64: 1, 3, 2048>}, {pipeline_mode = #tpu.pipeline_mode<synchronous>, transform_indices = @transform_2, window_bounds = array<i64: 6, 768>}, {pipeline_mode = #tpu.pipeline_mode<synchronous>, transform_indices = @transform_3, window_bounds = array<i64: 768, 768>}, {pipeline_mode = #tpu.pipeline_mode<synchronous>, transform_indices = @transform_4, window_bounds = array<i64: 768, 1>}, {transform_indices = @transform_5, window_bounds = array<i64: 1, 768, 2048>}]} {
    %get3A = arith.constant 0 : index
    %get3A_0 = arith.constant 0 : index
    %get3A_1 = arith.constant 0 : index
    %get3A_2 = vector.load %arg2[%get3A, %get3A_0, %get3A_1] : memref<1x768x2048xf32, #tpu.memory_space<vmem>>, vector<1x768x2048xf32>
    %get3A_3 = vector.shape_cast %get3A_2 : vector<1x768x2048xf32> to vector<768x2048xf32>
    %convert_element_type3A = arith.truncf %get3A_3 : vector<768x2048xf32> to vector<768x2048xbf16>
    %get3A_4 = arith.constant 0 : index
    %get3A_5 = arith.constant 0 : index
    %get3A_6 = arith.constant 0 : index
    %get3A_7 = vector.load %arg3[%get3A_4, %get3A_5, %get3A_6] : memref<1x3x2048xf32, #tpu.memory_space<vmem>>, vector<1x3x2048xf32>
    %get3A_8 = vector.shape_cast %get3A_7 : vector<1x3x2048xf32> to vector<3x2048xf32>
    %get3A_9 = arith.constant 0 : index
    %get3A_10 = arith.constant 0 : index
    %get3A_11 = vector.load %arg4[%get3A_9, %get3A_10] : memref<6x768xf32, #tpu.memory_space<vmem>>, vector<6x768xf32>
    %convert_element_type3A_12 = arith.truncf %get3A_11 : vector<6x768xf32> to vector<6x768xbf16>
    %dot_general3A = arith.constant dense<0.000000e+00> : vector<6x2048xf32>
    %dot_general3A_13 = tpu.matmul %convert_element_type3A_12, %convert_element_type3A, %dot_general3A {dimension_numbers = #tpu.dot_dimension_numbers<[1], [0], [0], [1], [0, 0, 1, 1], [], []>, transpose_lhs_hint = false} : vector<6x768xbf16>, vector<768x2048xbf16>, vector<6x2048xf32> -> vector<6x2048xf32>
    %slice3A = vector.extract_strided_slice %dot_general3A_13 {offsets = [0, 0], sizes = [3, 2048], strides = [1, 1]} : vector<6x2048xf32> to vector<3x2048xf32>
    %slice3A_14 = vector.extract_strided_slice %dot_general3A_13 {offsets = [3, 0], sizes = [3, 2048], strides = [1, 1]} : vector<6x2048xf32> to vector<3x2048xf32>
    %reduce_max3A = arith.constant dense<0xFF800000> : vector<2048xf32>
    %reduce_max3A_15 = vector.multi_reduction <maximumf>, %slice3A_14, %reduce_max3A [0] : vector<3x2048xf32> to vector<2048xf32>
    %broadcast_in_dim3A = vector.shape_cast %reduce_max3A_15 : vector<2048xf32> to vector<1x2048xf32>
    %sub3A = vector.broadcast %broadcast_in_dim3A : vector<1x2048xf32> to vector<3x2048xf32>
    %sub3A_16 = arith.subf %slice3A_14, %sub3A : vector<3x2048xf32>
    %exp3A = math.exp %sub3A_16 : vector<3x2048xf32>
    %reduce_sum3A = arith.constant dense<0.000000e+00> : vector<2048xf32>
    %reduce_sum3A_17 = vector.multi_reduction <add>, %exp3A, %reduce_sum3A [0] : vector<3x2048xf32> to vector<2048xf32>
    %broadcast_in_dim3A_18 = vector.shape_cast %reduce_sum3A_17 : vector<2048xf32> to vector<1x2048xf32>
    %div3A = vector.broadcast %broadcast_in_dim3A_18 : vector<1x2048xf32> to vector<3x2048xf32>
    %div3A_19 = arith.divf %exp3A, %div3A : vector<3x2048xf32>
    %mul3A = arith.mulf %get3A_8, %div3A_19 : vector<3x2048xf32>
    %add3A = arith.addf %slice3A, %mul3A : vector<3x2048xf32>
    %reduce_min3A = arith.constant dense<0x7F800000> : vector<2048xf32>
    %reduce_min3A_20 = vector.multi_reduction <minimumf>, %add3A, %reduce_min3A [0] : vector<3x2048xf32> to vector<2048xf32>
    %broadcast_in_dim3A_21 = vector.shape_cast %reduce_min3A_20 : vector<2048xf32> to vector<1x2048xf32>
    %iota3A = tpu.iota {dimensions = array<i32: 0>} : vector<3x2048xi32>
    %eq3A = vector.broadcast %broadcast_in_dim3A_21 : vector<1x2048xf32> to vector<3x2048xf32>
    %eq3A_22 = arith.cmpf oeq, %add3A, %eq3A : vector<3x2048xf32>
    %jit3A = arith.constant -1 : i32
    %broadcast_in_dim3A_23 = vector.broadcast %jit3A : i32 to vector<3x2048xi32>
    %select_n3A = arith.select %eq3A_22, %iota3A, %broadcast_in_dim3A_23 : vector<3x2048xi1>, vector<3x2048xi32>
    %reduce_max3A_24 = arith.constant dense<-2147483648> : vector<2048xi32>
    %reduce_max3A_25 = vector.multi_reduction <maxsi>, %select_n3A, %reduce_max3A_24 [0] : vector<3x2048xi32> to vector<2048xi32>
    %broadcast_in_dim3A_26 = vector.shape_cast %reduce_max3A_25 : vector<2048xi32> to vector<1x2048xi32>
    %ne3A = vector.broadcast %broadcast_in_dim3A_26 : vector<1x2048xi32> to vector<3x2048xi32>
    %ne3A_27 = arith.cmpi ne, %iota3A, %ne3A : vector<3x2048xi32>
    %reduce_max3A_28 = arith.constant dense<0xFF800000> : vector<2048xf32>
    %reduce_max3A_29 = vector.multi_reduction <maximumf>, %add3A, %reduce_max3A_28 [0] : vector<3x2048xf32> to vector<2048xf32>
    %broadcast_in_dim3A_30 = vector.shape_cast %reduce_max3A_29 : vector<2048xf32> to vector<1x2048xf32>
    %sub3A_31 = vector.broadcast %broadcast_in_dim3A_30 : vector<1x2048xf32> to vector<3x2048xf32>
    %sub3A_32 = arith.subf %add3A, %sub3A_31 : vector<3x2048xf32>
    %exp3A_33 = math.exp %sub3A_32 : vector<3x2048xf32>
    %jit3A_34 = arith.constant 0.000000e+00 : f32
    %broadcast_in_dim3A_35 = vector.broadcast %jit3A_34 : f32 to vector<3x2048xf32>
    %select_n3A_36 = arith.select %ne3A_27, %exp3A_33, %broadcast_in_dim3A_35 : vector<3x2048xi1>, vector<3x2048xf32>
    %reduce_sum3A_37 = arith.constant dense<0.000000e+00> : vector<2048xf32>
    %reduce_sum3A_38 = vector.multi_reduction <add>, %select_n3A_36, %reduce_sum3A_37 [0] : vector<3x2048xf32> to vector<2048xf32>
    %broadcast_in_dim3A_39 = vector.shape_cast %reduce_sum3A_38 : vector<2048xf32> to vector<1x2048xf32>
    %div3A_40 = vector.broadcast %broadcast_in_dim3A_39 : vector<1x2048xf32> to vector<3x2048xf32>
    %div3A_41 = arith.divf %select_n3A_36, %div3A_40 : vector<3x2048xf32>
    %reduce_sum3A_42 = arith.constant dense<0.000000e+00> : vector<2048xf32>
    %reduce_sum3A_43 = vector.multi_reduction <add>, %div3A_41, %reduce_sum3A_42 [0] : vector<3x2048xf32> to vector<2048xf32>
    %broadcast_in_dim3A_44 = vector.shape_cast %reduce_sum3A_43 : vector<2048xf32> to vector<1x2048xf32>
    %get3A_45 = arith.constant 0 : index
    %get3A_46 = arith.constant 0 : index
    %get3A_47 = vector.load %arg5[%get3A_45, %get3A_46] : memref<768x768xf32, #tpu.memory_space<vmem>>, vector<768x768xf32>
    %convert_element_type3A_48 = arith.truncf %get3A_47 : vector<768x768xf32> to vector<768x768xbf16>
    %dot_general3A_49 = arith.constant dense<0.000000e+00> : vector<768x2048xf32>
    %dot_general3A_50 = tpu.matmul %convert_element_type3A_48, %convert_element_type3A, %dot_general3A_49 {dimension_numbers = #tpu.dot_dimension_numbers<[1], [0], [0], [1], [0, 0, 1, 1], [], []>, transpose_lhs_hint = false} : vector<768x768xbf16>, vector<768x2048xbf16>, vector<768x2048xf32> -> vector<768x2048xf32>
    %get3A_51 = arith.constant 0 : index
    %get3A_52 = arith.constant 0 : index
    %get3A_53 = vector.load %arg6[%get3A_51, %get3A_52] : memref<768x1xf32, #tpu.memory_space<vmem>>, vector<768x1xf32>
    %add3A_54 = vector.broadcast %get3A_53 : vector<768x1xf32> to vector<768x2048xf32>
    %add3A_55 = arith.addf %dot_general3A_50, %add3A_54 : vector<768x2048xf32>
    %mul3A_56 = vector.broadcast %broadcast_in_dim3A_44 : vector<1x2048xf32> to vector<768x2048xf32>
    %mul3A_57 = arith.mulf %add3A_55, %mul3A_56 : vector<768x2048xf32>
    %swap3A = arith.constant 0 : index
    %swap3A_58 = arith.constant 0 : index
    %swap3A_59 = arith.constant 0 : index
    %swap3A_60 = vector.load %arg7[%swap3A, %swap3A_58, %swap3A_59] : memref<1x768x2048xf32, #tpu.memory_space<vmem>>, vector<1x768x2048xf32>
    %swap3A_61 = vector.shape_cast %swap3A_60 : vector<1x768x2048xf32> to vector<768x2048xf32>
    %swap3A_62 = vector.shape_cast %mul3A_57 : vector<768x2048xf32> to vector<1x768x2048xf32>
    tpu.vector_store %arg7[%swap3A, %swap3A_58, %swap3A_59], %swap3A_62 {strides = array<i32>} : memref<1x768x2048xf32, #tpu.memory_space<vmem>>, vector<1x768x2048xf32>,
    return
  }
  func.func @transform_0(%arg0: i32, %arg1: i32) -> (i32, i32, i32) {
    %c0_i32 = arith.constant 0 : i32
    %c0_i32_0 = arith.constant 0 : i32
    return %arg0, %c0_i32, %arg1 : i32, i32, i32
  }
  func.func @transform_1(%arg0: i32, %arg1: i32) -> (i32, i32, i32) {
    %c0_i32 = arith.constant 0 : i32
    %c0_i32_0 = arith.constant 0 : i32
    return %arg0, %c0_i32, %arg1 : i32, i32, i32
  }
  func.func @transform_2(%arg0: i32, %arg1: i32) -> (i32, i32) {
    %c0_i32 = arith.constant 0 : i32
    %c0_i32_0 = arith.constant 0 : i32
    %c0_i32_1 = arith.constant 0 : i32
    return %c0_i32, %c0_i32_0 : i32, i32
  }
  func.func @transform_3(%arg0: i32, %arg1: i32) -> (i32, i32) {
    %c0_i32 = arith.constant 0 : i32
    %c0_i32_0 = arith.constant 0 : i32
    %c0_i32_1 = arith.constant 0 : i32
    return %c0_i32, %c0_i32_0 : i32, i32
  }
  func.func @transform_4(%arg0: i32, %arg1: i32) -> (i32, i32) {
    %c0_i32 = arith.constant 0 : i32
    %c0_i32_0 = arith.constant 0 : i32
    %c0_i32_1 = arith.constant 0 : i32
    return %c0_i32, %c0_i32_0 : i32, i32
  }
  func.func @transform_5(%arg0: i32, %arg1: i32) -> (i32, i32, i32) {
    %c0_i32 = arith.constant 0 : i32
    %c0_i32_0 = arith.constant 0 : i32
    return %arg0, %c0_i32, %arg1 : i32, i32, i32
  }
}

</mosaic_0001>

<sc_bundles>
// kernel: sparse-core-data-format-call.cloned.1.call-start
scs
called_computation_lowered:
.L_overlay_start_0:
0x0: {  	s2 =	sld [smem:$0x3FD9]  }
0x1: {  	s3 =	sld [smem:$0x3FFE];
	_ =	sdelay $0x1  }
0x2: {  	s1 =	srdreg.scid  }
0x3: {  	s0 =	sand.u32 $0x1, s1  }
0x4: {  	s18 =	sshll.u32 s0, $0xA;
	s2 =	sadd.s32 s3, s2  }
0x5: {  	s2 =	sadd.s32 s2, s18  }
0x6: {  	[smem:$0x3FC2] =	sst s2  }
0x7: {  	_ = 	snop  }
0x8: {  	s2 =	sld [smem:$0x3FD0];
	(tm) =	ssettm $0x1  }
0x9: {  	s19 =	sld [smem:$0x3FFB];
	_ =	sdelay $0x3  }
0xa: {  	_ =	strace s19  }
0xb: {  	s3 =	sld [smem:$0x3FFC];
	_ =	sdelay $0x3  }
0xc: {  	_ =	strace s3  }
0xd: {  	s3 =	sld [smem:$0x3FFD];
	_ =	sdelay $0x3  }
0xe: {  	_ =	strace s3  }
0xf: {  	_ =	strace $0x8FFFFFFF  }
0x10: {  	s20 =	sld [smem:$0x3FDB];
	_ =	sdelay $0x1  }
0x11: {  	s4 =	simm.s32 $_scs_section_size  }
0x12: {  	s5 =	simm.s32 $_size__tile_overlayer_lowered;
	s6 =	simm.s32 $_tile_overlayer_lowered  }
0x13: {  	s23 =	simm.s32 $0x1BFF;
	s22 =	sshll.u32 s6, $0x1;
	s3 =	sadd.s32 s4, s20  }
0x14: {  	s7 =	simm.s32 $0x0;
	s21 =	sshll.u32 s5, $0x1;
	s5 =	sadd.s32 s22, s3  }
0x15: {  	[timem:s7], [sflag:s23] =	dma.local [hbm:s5], s21  }
0x16: {  	_ =	swait.ge [sflag:s23], s21  }
0x17: {  	s4 =	ssub.s32 $0x0, s21;
	[sflag:s23] =	ssyncset.done $0x0  }
0x18: {  	[sflag:s23] =	ssyncadd.s32 s4;
	_ =	sdelay $0x1  }
0x19: {  	s24 =	simm.s32 $0x1B8B  }
0x1a: {  	_ =	swait.ge [sflag:s24], $0x1  }
0x1b: {  	[sflag:s24] =	ssyncset.done $0x0  }
0x1c: {  	s26 =	simm.s32 $0x1B8E;
	s25 =	sld [smem:$0x3FFE];
	[sflag:s24] =	ssyncadd.s32 $0xFFFFFFFF  }
0x1d: {  	s27 =	simm.s32 $execute0_lowered;
	[smem:$0x3FD2] =	sst s26  }
0x1e: {  	s5 =	sshll.u32 s27, $0x1;
	_ =	strace $0x80000046;
	[dreg:$0x1] =	wrdreg $0xFFFFFFFF  }
0x1f: {  	s28 =	simm.s32 $_size_execute0_lowered;
	s3 =	sadd.s32 s3, s5;
	[dreg:$0x0] =	wrdreg $0x0  }
0x20: {  	s5 =	sshll.u32 s28, $0x1;
	[dreg:$0x2] =	wrdreg s3  }
0x21: {  	[dreg:$0x3] =	wrdreg s5  }
0x22: {  	[dreg:$0x4] =	wrdreg $0xC0  }
0x23: {  	_ =	task [dreg:s7], $0x5FFFF  }
0x24: {  	[dreg:$0x1] =	wrdreg $0xFFFFFFFF  }
0x25: {  	[dreg:$0x0] =	wrdreg $0x60  }
0x26: {  	[dreg:$0x2] =	wrdreg s25  }
0x27: {  	[dreg:$0x3] =	wrdreg s2  }
0x28: {  	[dreg:$0x4] =	wrdreg $0x9  }
0x29: {  	_ =	task.clear_ibuf [dreg:s7], $0x5FFFF;
	_ =	strace $0x90000046  }
0x2a: {  	s29 =	simm.s32 $0x9;
	_ =	strace $0x80000048  }
0x2b: {  	_ =	swait.ge [sflag:s29], $0x1  }
0x2c: {  	[sflag:s29] =	ssyncadd.s32 $0xFFFFFFFF  }
0x2d: {  	_ =	strace $0x90000048  }
0x2e: {  	_ =	sfence  }
0x2f: {  	s30 =	sld [smem:$0x0];
	_ =	sdelay $0x2  }
0x30: {  	s31 =	sshll.u32 s1, $0xD;
	s1 =	sshrl.u32 s1, $0x2  }
0x31: {  	s3 =	sand.u32 $0x4000, s31;
	s1 =	sadd.s32 s1, s30  }
0x32: {  	s0 =	sor.u32 s3, s0;
	s1 =	sshll.u32 s1, $0x11  }
0x33: {  	s0 =	sor.u32 s1, s0  }
0x34: {  	s0 =	sadd.s32 $0x8F2B, s0  }
0x35: {  	[sflag:s0] =	ssyncadd.remote.s32 $0x1  }
0x36: {  	_ =	sfence.sel $0xFFFF  }
0x37: {  	[dreg:$0x0] =	wrdreg $0xFFFFFFFF;
	(pc) =	sbr.abs _section_cstart, $3  }
0x38: {  	[dreg:$0x1] =	wrdreg $0xFFFFFFFF  }
0x39: {  	_ =	task.clear_ibuf [dreg:s7], $0x2FFFF;
	_ =	strace $0x9FFFFFFF  }
0x3a: {  	(tm) =	ssettm $0x7FFFFFFF  }
0x3b: {  	_ =	shalt  }
tec
execute0_lowered:
.L_overlay_start_1:
0x0: {  	(tag) =	ssettag $0x1  }
0x1: {  	s1 =	rddreg [dreg:$0x0]  }
0x2: {  	s2 =	rddreg [dreg:$0x1]  }
0x3: {  	s0 =	rddreg [dreg:$0x2];
	s4 =	srdreg.scid  }
0x4: {  	_ =	strace $0x80000047;
	s7 =	simm.s32 $0x2;
	s13 =	simm.s32 $0x0  }
0x5: {  	p0 =	por $0x0, $0x0;
	s16 =	simm.s32 $0x0;
	s14 =	simm.s32 $0x0  }
0x6: {  	s15 =	simm.s32 $0x0;
	s9 =	simm.s32 $0x0;
	s11 =	simm.s32 $0x0  }
.Ltmp0:
0x7: {  	s3 =	sadd.s32 $0xC00, s1;
	s4 =	sshll.u32 s4, $0x4;
	(pc) =	sbr.rel .LBB1_1-.Ltmp0, $4  }
0x8: {  	s1 =	stileid.u32;
	s5 =	sand.u32 $0x10, s4;
	s4 =	simm.s32 $0x1  }
0x9: {  	s8 =	simm.s32 $0x0;
	s6 =	sor.u32 s1, s5;
	[sflag:s4] =	ssyncpa.u1 $0x0  }
0xa: {  	s5 =	sand.u32 $0x3, s1;
	s6 =	sshrl.u32 s6, $0x2;
	[sflag:s7] =	ssyncpa.u1 $0x0  }
0xb: {  	s7 =	simm.s32 $0x2000;
	s12 =	smov.u32 s5;
	s10 =	smov.u32 s6  }
.LBB1_5:
0xc: {  	s17 =	sadd.s32 $0x80, s9  }
0xd: {  	s13 =	sadd.s32 $0x8, s10;
	s18 =	smov.u32 s10;
	p2 =	sgt.s32 s17, $0x2FF  }
0xe: {  	s18 =	smov.u32 @p2 s13  }
0xf: {  	s19 =	smov.u32 s11;
	s13 =	sadd.s32 $0x80, s11;
	p3 =	sgt.s32 s18, $0x3F  }
0x10: {  	s19 =	smov.u32 @p3 s13  }
0x11: {  	s20 =	smov.u32 s12;
	s13 =	sadd.s32 $0x4, s12;
	p4 =	sgt.s32 s19, $0x7F  }
0x12: {  	p1 =	slt.u32 s8, $0x2;
	s20 =	smov.u32 @p4 s13  }
0x13: {  	s8 =	sadd.s32 $0x1, s8;
	s17 =	simm.s32 @p2 $0x0;
	p2 =	sgt.s32 s20, $0x3  }
0x14: {  	s21 =	simm.s32 @!p1 $0x2;
	s20 =	smov.u32 @p2 s5;
	p2 =	sne.s32 s8, $0x32  }
.Ltmp1:
0x15: {  	s16 =	smov.u32 s10;
	_ =	swait.ge @!p1 [sflag:s21], $0x4000;
	(pc) =	sbr.rel @!p2 .LBB1_6-.Ltmp1, $4  }
0x16: {  	s14 =	smov.u32 s11;
	s15 =	smov.u32 s12;
	[sflag:s21] =	ssyncset.done @!p1 $0x0  }
0x17: {  	p0 =	por !p0, !p0;
	s18 =	smov.u32 @p3 s6;
	[sflag:s21] =	ssyncadd.s32 @!p1 $0xFFFFC000  }
0x18: {  	s10 =	smov.u32 s18;
	s19 =	simm.s32 @p4 $0x0;
	s13 =	smov.u32 s9  }
0x19: {  	s9 =	smov.u32 s17;
	s11 =	smov.u32 s19;
	s12 =	smov.u32 s20  }
.LBB1_1:
0x1a: {  	p1 =	sgt.u32 s8, $0x2F  }
0x1b: {  	s17 =	sshrl.u32 @!p1 s10, $0x3  }
0x1c: {  	s18 =	sshll.u32 @!p1 s9, $0x3;
	s17 =	smul.u32 @!p1 $0x1800, s17  }
0x1d: {  	s19 =	sshll.u32 @!p1 s10, $0x7;
	s18 =	sand.u32 @!p1 $0xFFFFFC00, s18  }
0x1e: {  	s17 =	sadd.s32 @!p1 s17, s18;
	s18 =	sand.u32 @!p1 $0x380, s19  }
0x1f: {  	s19 =	sand.u32 @!p1 $0x7F, s9;
	s17 =	sor.u32 @!p1 s18, s17  }
0x20: {  	s18 =	sor.u32 @!p1 s19, s17  }
0x21: {  	s19 =	smulhi.u32 @!p1 $0xAAAAAAAB, s18  }
0x22: {  	s17 =	smulhi.u32 @!p1 $0xAAAAAAAB, s17  }
0x23: {  	s21 =	smul.u32 @!p1 $0xC0000, s12;
	s19 =	sshrl.u32 @!p1 s19, $0x9  }
0x24: {  	s20 =	sxor.u32 @!p1 $0xFFFFFFFF, s8;
	s17 =	sshrl.u32 @!p1 s17, $0x9;
	s19 =	smul.u32 @!p1 $0x300, s19  }
0x25: {  	s22 =	smul.u32 @!p1 $0x1800, s11;
	s20 =	sshll.u32 @!p1 s20, $0xE;
	s17 =	sand.u32 @!p1 $0x3F, s17  }
0x26: {  	s17 =	smul.u32 @!p1 $0x60, s17;
	s18 =	ssub.s32 @!p1 s18, s19;
	s19 =	sadd.s32 @!p1 s3, s21  }
0x27: {  	s20 =	sand.u32 @!p1 $0x4000, s20;
	s19 =	sadd.s32 @!p1 s22, s19;
	s21 =	sand.u32 @!p1 $0x7, s18  }
0x28: {  	s18 =	sshrl.u32 @!p1 s18, $0x3;
	s17 =	sadd.s32 @!p1 s17, s19;
	s19 =	sshll.u32 @!p1 s21, $0x12  }
0x29: {  	s17 =	sadd.s32 @!p1 s18, s17;
	s18 =	sor.u32 @!p1 $0x80, s19;
	s19 =	simm.s32 @!p1 $0xC000  }
0x2a: {  	[tilespmem:s20], [sflag:$0x1] =	stream.strided.gather @!p1 [hbm4b:s17+s18], $0x4000, s19, s18, $0x38;
	[tilespmem:$0x10100] =	vst v63  }
0x2b: {  	p1 =	seq.s32 s8, $0x0  }
0x2c: {  	p2 =	seq.s32 @!p1 s8, $0x31  }
0x2d: {  	p1 =	por p1, p2  }
.Ltmp2:
0x2e: {  	_ = 	snop;
	(pc) =	sbr.rel @p1 .LBB1_5-.Ltmp2, $1  }
0x2f: {  	_ =	sdelay $0x3  }
0x30: {  	s17 =	simm.s32 $0x1  }
0x31: {  	_ =	swait.ge [sflag:s4], $0x4000;
	s17 =	simm.s32 @!p0 $0x0  }
0x32: {  	[sflag:s4] =	ssyncset.done $0x0;
	s18 =	sshll.u32 s17, $0xE  }
0x33: {  	[sflag:s4] =	ssyncadd.s32 $0xFFFFC000;
	s19 =	sor.u32 $0x40, s18  }
0x34: {  	s17 =	smul.u32 $0x10200, s17;
	v0 =	vld [tilespmem:s19+$0x30]  }
0x35: {  	v3 =	vld [tilespmem:s19+$0xFFFFFFD0]  }
0x36: {  	s17 =	sshrl.u32 s17, $0x2;
	v4 =	vld [tilespmem:s19+$0xFFFFFFE0]  }
0x37: {  	v5 =	vld [tilespmem:s19+$0xFFFFFFF0];
	s18 =	sor.u32 $0x8000, s17  }
0x38: {  	s31 =	sand.u32 $0x1, s8;
	v1 =	vld [tilespmem:s19+$0x0];
	s20 =	sadd.s32 $0x0, s18  }
0x39: {  	v2 =	vld [tilespmem:s19+$0x10];
	s17 =	smul.u32 $0x10200, s31;
	[tilespmem:s20+$0x3870 ss:$0x81] =	vst.msk $0xffff, v0  }
0x3a: {  	[tilespmem:s20+$0x810 ss:$0x81] =	vst.msk $0xffff, v3;
	v3 =	vld [tilespmem:s19+$0x20]  }
0x3b: {  	s17 =	sshrl.u32 s17, $0x2;
	v0 =	vld [tilespmem:s19+$0xFFFFFFC0];
	[tilespmem:s20+$0x1020 ss:$0x81] =	vst.msk $0xffff, v4;
	s19 =	sadd.s32 $0x80, s19  }
0x3c: {  	s21 =	simm.s32 $0x4;
	s22 =	simm.s32 $0x8;
	s17 =	sor.u32 $0x8000, s17;
	[tilespmem:s20+$0x1830 ss:$0x81] =	vst.msk $0xffff, v5;
	v4 =	vld [tilespmem:s19+$0x30]  }
.LBB1_3:
0x3d: {  	p1 =	sne.s32 s22, $0x1FC;
	v5 =	vld [tilespmem:s19+$0xFFFFFFD0];
	[tilespmem:s20+$0x2040 ss:$0x81] =	vst.msk $0xffff, v1  }
0x3e: {  	v6 =	vld [tilespmem:s19+$0xFFFFFFE0];
	[tilespmem:s20+$0x2850 ss:$0x81] =	vst.msk $0xffff, v2  }
0x3f: {  	s23 =	sshra.s32 s21, $0x2;
	s21 =	smov.u32 s22;
	v7 =	vld [tilespmem:s19+$0xFFFFFFF0];
	[tilespmem:s20+$0x3060 ss:$0x81] =	vst.msk $0xffff, v3  }
.Ltmp3:
0x40: {  	v1 =	vld [tilespmem:s19+$0x0];
	[tilespmem:s20+$0x0 ss:$0x81] =	vst.msk $0xffff, v0;
	s20 =	sadd.s32 s23, s18;
	(pc) =	sbr.rel @p1 .LBB1_3-.Ltmp3, $4  }
0x41: {  	v2 =	vld [tilespmem:s19+$0x10];
	[tilespmem:s20+$0x3870 ss:$0x81] =	vst.msk $0xffff, v4  }
0x42: {  	[tilespmem:s20+$0x810 ss:$0x81] =	vst.msk $0xffff, v5;
	v3 =	vld [tilespmem:s19+$0x20]  }
0x43: {  	v0 =	vld [tilespmem:s19+$0xFFFFFFC0];
	[tilespmem:s20+$0x1020 ss:$0x81] =	vst.msk $0xffff, v6;
	s19 =	sadd.s32 $0x80, s19  }
0x44: {  	s22 =	sadd.s32 $0x4, s22;
	v4 =	vld [tilespmem:s19+$0x30];
	[tilespmem:s20+$0x1830 ss:$0x81] =	vst.msk $0xffff, v7  }
0x45: {  	v5 =	vld [tilespmem:s19+$0xFFFFFFD0];
	[tilespmem:s20+$0x2040 ss:$0x81] =	vst.msk $0xffff, v1  }
0x46: {  	v58 =	vld [tilespmem:s19+$0xFFFFFFE0];
	[tilespmem:s20+$0x2850 ss:$0x81] =	vst.msk $0xffff, v2  }
0x47: {  	s21 =	sshra.s32 s21, $0x2;
	v59 =	vld [tilespmem:s19+$0xFFFFFFF0];
	[tilespmem:s20+$0x3060 ss:$0x81] =	vst.msk $0xffff, v3  }
0x48: {  	v60 =	vld [tilespmem:s19+$0x0];
	s18 =	sadd.s32 s21, s18;
	[tilespmem:s20+$0x0 ss:$0x81] =	vst.msk $0xffff, v0  }
0x49: {  	v61 =	vld [tilespmem:s19+$0x10];
	s16 =	sshll.u32 s16, $0x7;
	[tilespmem:s18+$0x3870 ss:$0x81] =	vst.msk $0xffff, v4  }
0x4a: {  	s27 =	sshll.u32 s14, $0x3;
	v62 =	vld [tilespmem:s19+$0x20];
	s15 =	smul.u32 $0xC0000, s15;
	s30 =	sshrl.u32 s14, $0x3;
	[tilespmem:s18+$0x810 ss:$0x81] =	vst.msk $0xffff, v5  }
0x4b: {  	v63 =	vld [tilespmem:s19+$0xFFFFFFC0];
	s13 =	sshll.u32 s13, $0xA;
	s28 =	sand.u32 $0x1C00, s16;
	s20 =	sand.u32 $0x1C00, s27;
	[tilespmem:s18+$0x1020 ss:$0x81] =	vst.msk $0xffff, v58  }
0x4c: {  	s16 =	sand.u32 $0x380, s16;
	s19 =	sand.u32 $0xF, s30;
	s29 =	sadd.s32 s20, s28;
	[tilespmem:s18+$0x1830 ss:$0x81] =	vst.msk $0xffff, v59  }
.Ltmp4:
0x4d: {  	s15 =	sadd.s32 s2, s15;
	s16 =	sor.u32 s16, s29;
	[tilespmem:s18+$0x2040 ss:$0x81] =	vst.msk $0xffff, v60;
	(pc) =	sbr.rel .LBB1_5-.Ltmp4, $4  }
0x4e: {  	s31 =	sand.u32 $0x7, s14;
	s15 =	sadd.s32 s19, s15;
	[tilespmem:s18+$0x2850 ss:$0x81] =	vst.msk $0xffff, v61;
	s16 =	sshrl.u32 s16, $0x3  }
0x4f: {  	s14 =	sshll.u32 s31, $0x12;
	s13 =	sadd.s32 s13, s15;
	[tilespmem:s18+$0x3060 ss:$0x81] =	vst.msk $0xffff, v62;
	s16 =	sand.u32 $0x3F0, s16  }
0x50: {  	s14 =	sor.u32 $0x80, s14;
	[tilespmem:s18+$0x0 ss:$0x81] =	vst.msk $0xffff, v63;
	s13 =	sadd.s32 s16, s13  }
0x51: {  	[hbm4b:s13+s14] =	stream.strided.scatter [tilespmem:s17], [sflag:$0x2], $0x4000, s7, s14, $0x20;
	[tilespmem:$0x10100] =	vst v63  }
.LBB1_6:
0x52: {  	_ =	sfence.sel $0x180000  }
0x53: {  	s2 =	simm.s32 $0x1;
	[bflag:$0x0] =	sbarrier.arrive $0xFFFF  }
0x54: {  	s31 =	simm.s32 $0x2;
	[sflag:s2] =	ssyncpa.u1 $0x1  }
0x55: {  	[sflag:s31] =	ssyncpa.u1 $0x1  }
0x56: {  	p0 =	sne.s32 s1, $0x0;
	_ =	strace $0x90000047  }
0x57: {  	s0 =	sadd.s32 @!p0 $0x100000, s0;
	[bflag:$0x2] =	sbarrier.arrive $0xFFFF  }
0x58: {  	[sflag:s0] =	ssyncadd.tile.s32 @!p0 $0x1;
	_ =	shalt  }
.Lfunc_end1:
_tile_overlayer_lowered:
.L_overlay_start_2:
0x59: {  	(tag) =	ssettag $0x2  }
0x5a: {  	s0 =	rddreg [dreg:$0x0];
	s2 =	stileid.u32  }
0x5b: {  	s1 =	rddreg [dreg:$0x1];
	p0 =	sne.s32 s2, $0x0  }
0x5c: {  	s3 =	rddreg [dreg:$0x2];
	[bflag:$0x3] =	sbarrier.arrive $0xFFFF;
	s2 =	simm.s32 @!p0 $0x1C01  }
0x5d: {  	[timem:s3], [sflag:s2] =	dma.local @!p0 [hbm:s0], s1  }
0x5e: {  	s0 =	simm.s32 @!p0 $0x1  }
0x5f: {  	_ =	swait.ge @!p0 [sflag:s0], s1  }
0x60: {  	s1 =	ssub.s32 @!p0 $0x0, s1;
	[sflag:s0] =	ssyncset.done @!p0 $0x0  }
0x61: {  	[sflag:s0] =	ssyncadd.s32 @!p0 s1  }
0x62: {  	[bflag:$0x3] =	sbarrier.arrive $0xFFFF  }
0x63: {  	_ =	shalt  }

</sc_bundles>
